<compile_context>
chip_gen: v7x
topology: tpu7x:2x2x1
jax: 0.10.2.dev20260603
libtpu: 0.0.44.dev20260713+nightly
codegen_flags: <defaults>
</compile_context>

<pallas_src>
import jax
import jax.numpy as jnp
from jax import lax
from jax.experimental import pallas as pl
from jax.experimental.pallas import tpu as pltpu
from jax.experimental.pallas import tpu_sc as plsc

_VOCAB = 1000000
_H = 64
_CTX = 200
_NCORES = 2
_NSUB = 16
_IDS_PER_W = 8
_ACTIVE_W = 25
_PACK = 2 * _H
_ROWS2 = _VOCAB // 2
_MV_BLOCK = 16384


def _sc_gather_body(ids_hbm, table_hbm, out_hbm, idx_v, rows_v, sem):
    wid = lax.axis_index("s") * _NCORES + lax.axis_index("c")

    @pl.when(wid < _ACTIVE_W)
    def _():
        base = wid * _IDS_PER_W
        pltpu.sync_copy(ids_hbm.at[pl.ds(base, _IDS_PER_W)], idx_v)
        pltpu.async_copy(table_hbm.at[idx_v], rows_v, sem).wait()
        pltpu.sync_copy(rows_v, out_hbm.at[pl.ds(base, _IDS_PER_W)])


def _sc_gather(ids_half, table2):
    return pl.kernel(
        _sc_gather_body,
        out_type=jax.ShapeDtypeStruct((_CTX, _PACK), jnp.float32),
        mesh=plsc.VectorSubcoreMesh(
            core_axis_name="c", subcore_axis_name="s",
            num_cores=_NCORES, num_subcores=_NSUB),
        scratch_types=[
            pltpu.VMEM((_IDS_PER_W,), jnp.int32),
            pltpu.VMEM((_IDS_PER_W, _PACK), jnp.float32),
            pltpu.SemaphoreType.DMA,
        ],
    )(ids_half, table2)


def _head_body(nidx_ref, pidx_ref, lidx_ref, rows_ref, ids_ref, node_ref,
               par_ref, lang_ref, nf_ref, numw_ref, numb_ref, hidw_ref,
               hidb_ref, sww_ref, swb_ref, hh2_out, sw_out):
    even = (ids_ref[...] % 2) == 0
    sel = jnp.where(even, rows_ref[:, :_H], rows_ref[:, _H:])
    tok = jnp.sum(sel, axis=0, keepdims=True) * (1.0 / _CTX)
    ni = nidx_ref[0]
    pi = pidx_ref[0]
    li = lidx_ref[0]
    feat = (node_ref[pl.ds(ni, 1), :]
            + par_ref[pl.ds(pi, 1), :]
            + lang_ref[pl.ds(li, 1), :])
    nproj = lax.dot_general(nf_ref[...], numw_ref[...], (((1,), (1,)), ((), ())),
                            preferred_element_type=jnp.float32)
    feat = feat + nproj + numb_ref[...]
    cat = jnp.concatenate([tok, feat], axis=1)
    hid = jnp.tanh(
        lax.dot_general(cat, hidw_ref[...], (((1,), (1,)), ((), ())),
                        preferred_element_type=jnp.float32)
        + hidb_ref[...])
    sw_out[...] = jnp.sum(hid * sww_ref[...], axis=1, keepdims=True) + swb_ref[0]
    zero = jnp.zeros((1, _H), jnp.float32)
    hh2_out[...] = jnp.concatenate(
        [jnp.concatenate([hid, zero], axis=1),
         jnp.concatenate([zero, hid], axis=1)], axis=0)


def _head(nidx, pidx, lidx, rows, ids, node_table, parent_table, lang_table,
          nf, num_w, num_b, hid_w, hid_b, sw_w, sw_b):
    smem = pl.BlockSpec(memory_space=pltpu.SMEM)
    vmem = pl.BlockSpec(memory_space=pltpu.VMEM)
    return pl.pallas_call(
        _head_body,
        in_specs=[smem, smem, smem] + [vmem] * 11 + [smem],
        out_shape=(jax.ShapeDtypeStruct((2, _PACK), jnp.float32),
                   jax.ShapeDtypeStruct((1, 1), jnp.float32)),
    )(nidx, pidx, lidx, rows, ids, node_table, parent_table, lang_table,
      nf, num_w, num_b, hid_w, hid_b, sw_w, sw_b)


def _mv_body(hh2_ref, w_ref, b_ref, o_ref):
    res = lax.dot_general(hh2_ref[...], w_ref[...], (((1,), (1,)), ((), ())),
                          preferred_element_type=jnp.float32)
    o_ref[...] = res + b_ref[...]


def _matvec(hh2, pref_w2, b2):
    grid = pl.cdiv(_ROWS2, _MV_BLOCK)
    return pl.pallas_call(
        _mv_body,
        grid=(grid,),
        in_specs=[
            pl.BlockSpec((2, _PACK), lambda i: (0, 0)),
            pl.BlockSpec((_MV_BLOCK, _PACK), lambda i: (i, 0)),
            pl.BlockSpec((2, _MV_BLOCK), lambda i: (0, i)),
        ],
        out_specs=pl.BlockSpec((2, _MV_BLOCK), lambda i: (0, i)),
        out_shape=jax.ShapeDtypeStruct((2, _ROWS2), jnp.float32),
    )(hh2, pref_w2, b2)


def kernel(prefix_ids, node_idx, parent_idx, lang_idx, numeric_features,
           token_table, node_table, parent_table, lang_table,
           num_W, num_b, hid_W, hid_b, sw_W, sw_b, pref_W, pref_b):
    ids = prefix_ids[-_CTX:].astype(jnp.int32)
    table2 = token_table.reshape(_ROWS2, _PACK)
    pref_w2 = pref_W.reshape(_ROWS2, _PACK)
    rows = _sc_gather(ids // 2, table2)
    nidx = jnp.asarray(node_idx, jnp.int32).reshape(1)
    pidx = jnp.asarray(parent_idx, jnp.int32).reshape(1)
    lidx = jnp.asarray(lang_idx, jnp.int32).reshape(1)
    hh2, sw = _head(
        nidx, pidx, lidx, rows, ids.reshape(_CTX, 1), node_table,
        parent_table, lang_table, numeric_features.reshape(1, 3), num_W,
        num_b.reshape(1, _H), hid_W, hid_b.reshape(1, _H), sw_W,
        sw_b.reshape(1))
    b2 = jnp.stack([pref_b[0::2], pref_b[1::2]], axis=0)
    out2 = _matvec(hh2, pref_w2, b2)
    logits = jnp.stack([out2[0], out2[1]], axis=-1).reshape(_VOCAB)
    return sw[0, 0], logits

# --- scband reference (transcript-rebuilt; emitter-appended) ---
"""Pipeline reference for scband-token-channel-model-37924561224141 (READ-ONLY COPY).

The authoritative reference and input builder live on the scoring server;
editing this copy changes nothing except your own understanding.
"""

import jax, jax.numpy as jnp
import numpy as np

VOCAB = 1000000
H = 64
CTX = 200
NODE_BUCKETS = 2048
LANG_BUCKETS = 64


def setup_inputs(seed: int = 0) -> dict:
    key = jax.random.key(seed)
    ks = jax.random.split(key, 16)
    inp = {}
    inp["prefix_ids"] = jax.random.randint(ks[0], (200,), 0, VOCAB, dtype=jnp.int32)
    inp["node_idx"] = 1234
    inp["parent_idx"] = 501
    inp["lang_idx"] = 17
    inp["numeric_features"] = jax.random.uniform(ks[1], (3,), dtype=jnp.float32)
    # learned parameters
    inp["token_table"] = jax.random.normal(ks[2], (VOCAB, H), dtype=jnp.float32) * 0.02
    inp["node_table"] = jax.random.normal(ks[3], (NODE_BUCKETS, H), dtype=jnp.float32) * 0.02
    inp["parent_table"] = jax.random.normal(ks[4], (NODE_BUCKETS, H), dtype=jnp.float32) * 0.02
    inp["lang_table"] = jax.random.normal(ks[5], (LANG_BUCKETS, H), dtype=jnp.float32) * 0.02
    inp["num_W"] = jax.random.normal(ks[6], (H, 3), dtype=jnp.float32) * 0.1
    inp["num_b"] = jnp.zeros((H,), dtype=jnp.float32)
    inp["hid_W"] = jax.random.normal(ks[7], (H, 2 * H), dtype=jnp.float32) * 0.05
    inp["hid_b"] = jnp.zeros((H,), dtype=jnp.float32)
    inp["sw_W"] = jax.random.normal(ks[8], (1, H), dtype=jnp.float32) * 0.1
    inp["sw_b"] = jnp.zeros((1,), dtype=jnp.float32)
    inp["pref_W"] = jax.random.normal(ks[9], (VOCAB, H), dtype=jnp.float32) * 0.02
    inp["pref_b"] = jnp.zeros((VOCAB,), dtype=jnp.float32)
    return inp


def reference(prefix_ids, node_idx, parent_idx, lang_idx, numeric_features,
              token_table, node_table, parent_table, lang_table,
              num_W, num_b, hid_W, hid_b, sw_W, sw_b, pref_W, pref_b):
    # trim prefix to context_width (prefix already length CTX, slice is faithful no-op)
    trimmed = prefix_ids[-CTX:]
    # token_embedding gather + mean pool
    token_summary = jnp.take(token_table, trimmed, axis=0).mean(axis=0)
    # feature encoding: three hashed-bucket embedding gathers + numeric projection
    feature_summary = (node_table[node_idx]
                       + parent_table[parent_idx]
                       + lang_table[lang_idx]
                       + (num_W @ numeric_features + num_b))
    hidden = jnp.tanh(hid_W @ jnp.concatenate([token_summary, feature_summary], axis=0) + hid_b)
    switch_logit = (sw_W @ hidden + sw_b)[0]
    preference_logits = pref_W @ hidden + pref_b
    return (switch_logit, preference_logits)

if __name__ == "__main__":
    import jax
    _d = setup_inputs()
    print(jax.jit(kernel)(*tuple(_d.values())))

</pallas_src>

<mosaic_0001>
#map = affine_map<(d0, d1) -> (0)>
#map1 = affine_map<(d0, d1) -> (0, 0)>
module attributes {stable_mosaic.version = 14 : i64} {
  func.func @_sc_gather_body(%arg0: i32, %arg1: i32, %arg2: memref<200xi32, #tpu.memory_space<hbm>>, %arg3: memref<500000x128xf32, #tpu.memory_space<hbm>>, %arg4: memref<200x128xf32, #tpu.memory_space<hbm>>, %arg5: memref<8xi32, #tpu.memory_space<vmem>>, %arg6: memref<8x128xf32, #tpu.memory_space<vmem>>, %arg7: memref<!tpu.dma_semaphore, #tpu.memory_space<semaphore_mem>>) attributes {dimension_semantics = [#tpu.dimension_semantics<core_parallel>, #tpu.dimension_semantics<subcore_parallel>], iteration_bounds = array<i64: 2, 16>, scalar_prefetch = 0 : i64, scratch_operands = 3 : i64, tpu.core_type = #tpu.core_type<sc_vector_subcore>, window_params = [{transform_indices = #map}, {transform_indices = #map1}, {transform_indices = #map1}]} {
    %mul3A = arith.constant 2 : i32
    %mul3A_0 = arith.muli %arg1, %mul3A : i32
    %add3A = arith.addi %mul3A_0, %arg0 : i32
    %lt3A = arith.constant 25 : i32
    %lt3A_1 = arith.cmpi slt, %add3A, %lt3A : i32
    %convert_element_type3A = arith.extui %lt3A_1 : i1 to i32
    %cond3A = arith.constant 0 : i32
    %cond3A_2 = arith.cmpi ne, %convert_element_type3A, %cond3A : i32
    scf.if %cond3A_2 {
      %mul3A_3 = arith.constant 8 : i32
      %mul3A_4 = arith.muli %add3A, %mul3A_3 : i32
      "tpu.region"() ({
        %run_scoped3A = tpu.sem_alloc : memref<!tpu.dma_semaphore, #tpu.memory_space<semaphore_mem>>
        %dma_start3A_9 = tpu.memref_slice %arg2[%mul3A_4] : memref<200xi32, #tpu.memory_space<hbm>> -> memref<8xi32, #tpu.memory_space<hbm>>
        %dma_start3A_10 = tpu.memref_slice %arg2[%mul3A_4] : memref<200xi32, #tpu.memory_space<hbm>> -> memref<8xi32, #tpu.memory_space<hbm>>
        tpu.enqueue_dma source(%dma_start3A_10 : memref<8xi32, #tpu.memory_space<hbm>>) target(%arg5 : memref<8xi32, #tpu.memory_space<vmem>>) target_semaphore(%run_scoped3A : memref<!tpu.dma_semaphore, #tpu.memory_space<semaphore_mem>>)
        %dma_wait3A_11 = tpu.memref_slice %arg2[%mul3A_4] : memref<200xi32, #tpu.memory_space<hbm>> -> memref<8xi32, #tpu.memory_space<hbm>>
        %dma_wait3A_12 = tpu.memref_slice %arg2[%mul3A_4] : memref<200xi32, #tpu.memory_space<hbm>> -> memref<8xi32, #tpu.memory_space<hbm>>
        tpu.wait_dma2 semaphore(%run_scoped3A : memref<!tpu.dma_semaphore, #tpu.memory_space<semaphore_mem>>) src(%dma_wait3A_12 : memref<8xi32, #tpu.memory_space<hbm>>) dst(%arg5 : memref<8xi32, #tpu.memory_space<vmem>>)
        tpu.yield
      }) : () -> ()
      %dma_start3A = arith.constant 0 : i32
      %dma_start3A_5 = arith.constant 0 : i32
      %dma_start3A_6 = tpu.memref_slice %arg3[%dma_start3A, %dma_start3A_5] : memref<500000x128xf32, #tpu.memory_space<hbm>> -> memref<500000x128xf32, #tpu.memory_space<hbm>>
      tpu.enqueue_indirect_dma source(%dma_start3A_6 : memref<500000x128xf32, #tpu.memory_space<hbm>>) target(%arg6 : memref<8x128xf32, #tpu.memory_space<vmem>>) offsets(%arg5 : memref<8xi32, #tpu.memory_space<vmem>>) semaphore(%arg7 : memref<!tpu.dma_semaphore, #tpu.memory_space<semaphore_mem>>)
      %dma_wait3A = arith.constant 0 : i32
      %dma_wait3A_7 = arith.constant 0 : i32
      %dma_wait3A_8 = tpu.memref_slice %arg3[%dma_wait3A, %dma_wait3A_7] : memref<500000x128xf32, #tpu.memory_space<hbm>> -> memref<500000x128xf32, #tpu.memory_space<hbm>>
      tpu.wait_indirect_dma semaphore(%arg7 : memref<!tpu.dma_semaphore, #tpu.memory_space<semaphore_mem>>) src(%dma_wait3A_8 : memref<500000x128xf32, #tpu.memory_space<hbm>>) dst(%arg6 : memref<8x128xf32, #tpu.memory_space<vmem>>)
      "tpu.region"() ({
        %run_scoped3A = tpu.sem_alloc : memref<!tpu.dma_semaphore, #tpu.memory_space<semaphore_mem>>
        %dma_start3A_9 = arith.constant 0 : i32
        %dma_start3A_10 = tpu.memref_slice %arg4[%mul3A_4, %dma_start3A_9] : memref<200x128xf32, #tpu.memory_space<hbm>> -> memref<8x128xf32, #tpu.memory_space<hbm>>
        %dma_start3A_11 = arith.constant 0 : i32
        %dma_start3A_12 = tpu.memref_slice %arg4[%mul3A_4, %dma_start3A_11] : memref<200x128xf32, #tpu.memory_space<hbm>> -> memref<8x128xf32, #tpu.memory_space<hbm>>
        tpu.enqueue_dma source(%arg6 : memref<8x128xf32, #tpu.memory_space<vmem>>) target(%dma_start3A_12 : memref<8x128xf32, #tpu.memory_space<hbm>>) target_semaphore(%run_scoped3A : memref<!tpu.dma_semaphore, #tpu.memory_space<semaphore_mem>>)
        %dma_wait3A_13 = arith.constant 0 : i32
        %dma_wait3A_14 = tpu.memref_slice %arg4[%mul3A_4, %dma_wait3A_13] : memref<200x128xf32, #tpu.memory_space<hbm>> -> memref<8x128xf32, #tpu.memory_space<hbm>>
        %dma_wait3A_15 = arith.constant 0 : i32
        %dma_wait3A_16 = tpu.memref_slice %arg4[%mul3A_4, %dma_wait3A_15] : memref<200x128xf32, #tpu.memory_space<hbm>> -> memref<8x128xf32, #tpu.memory_space<hbm>>
        tpu.wait_dma2 semaphore(%run_scoped3A : memref<!tpu.dma_semaphore, #tpu.memory_space<semaphore_mem>>) src(%arg6 : memref<8x128xf32, #tpu.memory_space<vmem>>) dst(%dma_wait3A_16 : memref<8x128xf32, #tpu.memory_space<hbm>>)
        tpu.yield
      }) : () -> ()
    } else {
    }
    return
  }
}

module attributes {stable_mosaic.version = 14 : i64} {
  func.func @_mv_body(%arg0: i32, %arg1: memref<2x128xf32, #tpu.memory_space<vmem>>, %arg2: memref<16384x128xf32, #tpu.memory_space<vmem>>, %arg3: memref<2x16384xf32, #tpu.memory_space<vmem>>, %arg4: memref<2x16384xf32, #tpu.memory_space<vmem>>) attributes {dimension_semantics = [#tpu.dimension_semantics<arbitrary>], iteration_bounds = array<i64: 31>, scalar_prefetch = 0 : i64, scratch_operands = 0 : i64, tpu.core_type = #tpu.core_type<tc>, window_params = [{pipeline_mode = #tpu.pipeline_mode<synchronous>, transform_indices = @transform_0, window_bounds = array<i64: 2, 128>}, {transform_indices = @transform_1, window_bounds = array<i64: 16384, 128>}, {transform_indices = @transform_2, window_bounds = array<i64: 2, 16384>}, {transform_indices = @transform_3, window_bounds = array<i64: 2, 16384>}]} {
    %get3A = arith.constant 0 : index
    %get3A_0 = arith.constant 0 : index
    %get3A_1 = vector.load %arg1[%get3A, %get3A_0] : memref<2x128xf32, #tpu.memory_space<vmem>>, vector<2x128xf32>
    %get3A_2 = arith.constant 0 : index
    %get3A_3 = arith.constant 0 : index
    %get3A_4 = vector.load %arg2[%get3A_2, %get3A_3] : memref<16384x128xf32, #tpu.memory_space<vmem>>, vector<16384x128xf32>
    %dot_general3A = arith.constant dense<0.000000e+00> : vector<2x16384xf32>
    %dot_general3A_5 = tpu.matmul %get3A_1, %get3A_4, %dot_general3A {dimension_numbers = #tpu.dot_dimension_numbers<[1], [1], [0], [0], [0, 0, 1, 0], [], []>, transpose_lhs_hint = false} : vector<2x128xf32>, vector<16384x128xf32>, vector<2x16384xf32> -> vector<2x16384xf32>
    %get3A_6 = arith.constant 0 : index
    %get3A_7 = arith.constant 0 : index
    %get3A_8 = vector.load %arg3[%get3A_6, %get3A_7] : memref<2x16384xf32, #tpu.memory_space<vmem>>, vector<2x16384xf32>
    %add3A = arith.addf %dot_general3A_5, %get3A_8 : vector<2x16384xf32>
    %swap3A = arith.constant 0 : index
    %swap3A_9 = arith.constant 0 : index
    %swap3A_10 = vector.load %arg4[%swap3A, %swap3A_9] : memref<2x16384xf32, #tpu.memory_space<vmem>>, vector<2x16384xf32>
    tpu.vector_store %arg4[%swap3A, %swap3A_9], %add3A {strides = array<i32>} : memref<2x16384xf32, #tpu.memory_space<vmem>>, vector<2x16384xf32>,
    return
  }
  func.func @transform_0(%arg0: i32) -> (i32, i32) {
    %c0_i32 = arith.constant 0 : i32
    %c0_i32_0 = arith.constant 0 : i32
    %c0_i32_1 = arith.constant 0 : i32
    return %c0_i32, %c0_i32_0 : i32, i32
  }
  func.func @transform_1(%arg0: i32) -> (i32, i32) {
    %c0_i32 = arith.constant 0 : i32
    %c0_i32_0 = arith.constant 0 : i32
    return %arg0, %c0_i32 : i32, i32
  }
  func.func @transform_2(%arg0: i32) -> (i32, i32) {
    %c0_i32 = arith.constant 0 : i32
    %c0_i32_0 = arith.constant 0 : i32
    return %c0_i32, %arg0 : i32, i32
  }
  func.func @transform_3(%arg0: i32) -> (i32, i32) {
    %c0_i32 = arith.constant 0 : i32
    %c0_i32_0 = arith.constant 0 : i32
    return %c0_i32, %arg0 : i32, i32
  }
}

module attributes {stable_mosaic.version = 14 : i64} {
  func.func @_head_body(%arg0: memref<1xi32, #tpu.memory_space<smem>>, %arg1: memref<1xi32, #tpu.memory_space<smem>>, %arg2: memref<1xi32, #tpu.memory_space<smem>>, %arg3: memref<200x128xf32, #tpu.memory_space<vmem>>, %arg4: memref<200x1xi32, #tpu.memory_space<vmem>>, %arg5: memref<2048x64xf32, #tpu.memory_space<vmem>>, %arg6: memref<2048x64xf32, #tpu.memory_space<vmem>>, %arg7: memref<64x64xf32, #tpu.memory_space<vmem>>, %arg8: memref<1x3xf32, #tpu.memory_space<vmem>>, %arg9: memref<64x3xf32, #tpu.memory_space<vmem>>, %arg10: memref<1x64xf32, #tpu.memory_space<vmem>>, %arg11: memref<64x128xf32, #tpu.memory_space<vmem>>, %arg12: memref<1x64xf32, #tpu.memory_space<vmem>>, %arg13: memref<1x64xf32, #tpu.memory_space<vmem>>, %arg14: memref<1xf32, #tpu.memory_space<smem>>, %arg15: memref<2x128xf32, #tpu.memory_space<vmem>>, %arg16: memref<1x1xf32, #tpu.memory_space<vmem>>) attributes {dimension_semantics = [], scalar_prefetch = 0 : i64, scratch_operands = 0 : i64, tpu.core_type = #tpu.core_type<tc>} {
    %get3A = arith.constant 0 : index
    %get3A_0 = arith.constant 0 : index
    %get3A_1 = vector.load %arg4[%get3A, %get3A_0] : memref<200x1xi32, #tpu.memory_space<vmem>>, vector<200x1xi32>
    %jit3A = arith.constant 2 : i32
    %eq3A = arith.constant 0 : i32
    %eq3A_2 = arith.cmpi eq, %jit3A, %eq3A : i32
    %jit3A_3 = arith.constant 1 : i32
    %select_n3A = arith.select %eq3A_2, %jit3A_3, %jit3A : i32
    %rem3A = vector.broadcast %select_n3A : i32 to vector<200x1xi32>
    %rem3A_4 = arith.remsi %get3A_1, %rem3A : vector<200x1xi32>
    %ne3A = arith.constant 0 : i32
    %ne3A_5 = vector.broadcast %ne3A : i32 to vector<200x1xi32>
    %ne3A_6 = arith.cmpi ne, %rem3A_4, %ne3A_5 : vector<200x1xi32>
    %lt3A = arith.constant 0 : i32
    %lt3A_7 = vector.broadcast %lt3A : i32 to vector<200x1xi32>
    %lt3A_8 = arith.cmpi slt, %rem3A_4, %lt3A_7 : vector<200x1xi32>
    %lt3A_9 = arith.constant 0 : i32
    %lt3A_10 = arith.cmpi slt, %select_n3A, %lt3A_9 : i32
    %ne3A_11 = vector.broadcast %lt3A_10 : i1 to vector<200x1xi1>
    %ne3A_12 = vector.broadcast %ne3A_11 : vector<200x1xi1> to vector<200x1xi1>
    %ne3A_13 = arith.xori %lt3A_8, %ne3A_12 : vector<200x1xi1>
    %and3A = arith.andi %ne3A_13, %ne3A_6 : vector<200x1xi1>
    %add3A = vector.broadcast %select_n3A : i32 to vector<200x1xi32>
    %add3A_14 = arith.addi %rem3A_4, %add3A : vector<200x1xi32>
    %select_n3A_15 = arith.select %and3A, %add3A_14, %rem3A_4 : vector<200x1xi1>, vector<200x1xi32>
    %eq3A_16 = arith.constant 0 : i32
    %eq3A_17 = vector.broadcast %eq3A_16 : i32 to vector<200x1xi32>
    %eq3A_18 = arith.cmpi eq, %select_n3A_15, %eq3A_17 : vector<200x1xi32>
    %get3A_19 = arith.constant 0 : index
    %get3A_20 = arith.constant 0 : index
    %get3A_21 = vector.load %arg3[%get3A_19, %get3A_20] : memref<200x128xf32, #tpu.memory_space<vmem>>, vector<200x64xf32>
    %get3A_22 = arith.constant 0 : index
    %get3A_23 = arith.constant 64 : index
    %get3A_24 = vector.load %arg3[%get3A_22, %get3A_23] : memref<200x128xf32, #tpu.memory_space<vmem>>, vector<200x64xf32>
    %broadcast_in_dim3A = vector.shape_cast %eq3A_18 : vector<200x1xi1> to vector<200x1xi1>
    %broadcast_in_dim3A_25 = vector.broadcast %broadcast_in_dim3A : vector<200x1xi1> to vector<200x64xi1>
    %select_n3A_26 = arith.select %broadcast_in_dim3A_25, %get3A_21, %get3A_24 : vector<200x64xi1>, vector<200x64xf32>
    %reduce_sum3A = arith.constant dense<0.000000e+00> : vector<64xf32>
    %reduce_sum3A_27 = vector.multi_reduction <add>, %select_n3A_26, %reduce_sum3A [0] : vector<200x64xf32> to vector<64xf32>
    %broadcast_in_dim3A_28 = vector.shape_cast %reduce_sum3A_27 : vector<64xf32> to vector<1x64xf32>
    %mul3A = arith.constant 5.000000e-03 : f32
    %mul3A_29 = vector.broadcast %mul3A : f32 to vector<1x64xf32>
    %mul3A_30 = arith.mulf %broadcast_in_dim3A_28, %mul3A_29 : vector<1x64xf32>
    %get3A_31 = arith.constant 0 : index
    %get3A_32 = memref.load %arg0[%get3A_31] : memref<1xi32, #tpu.memory_space<smem>>
    %get3A_33 = arith.constant 0 : index
    %get3A_34 = memref.load %arg1[%get3A_33] : memref<1xi32, #tpu.memory_space<smem>>
    %get3A_35 = arith.constant 0 : index
    %get3A_36 = memref.load %arg2[%get3A_35] : memref<1xi32, #tpu.memory_space<smem>>
    %get3A_37 = arith.index_cast %get3A_32 : i32 to index
    %get3A_38 = arith.constant 0 : index
    %get3A_39 = vector.load %arg5[%get3A_37, %get3A_38] : memref<2048x64xf32, #tpu.memory_space<vmem>>, vector<1x64xf32>
    %get3A_40 = arith.index_cast %get3A_34 : i32 to index
    %get3A_41 = arith.constant 0 : index
    %get3A_42 = vector.load %arg6[%get3A_40, %get3A_41] : memref<2048x64xf32, #tpu.memory_space<vmem>>, vector<1x64xf32>
    %add3A_43 = arith.addf %get3A_39, %get3A_42 : vector<1x64xf32>
    %get3A_44 = arith.index_cast %get3A_36 : i32 to index
    %get3A_45 = arith.constant 0 : index
    %get3A_46 = vector.load %arg7[%get3A_44, %get3A_45] : memref<64x64xf32, #tpu.memory_space<vmem>>, vector<1x64xf32>
    %add3A_47 = arith.addf %add3A_43, %get3A_46 : vector<1x64xf32>
    %get3A_48 = arith.constant 0 : index
    %get3A_49 = arith.constant 0 : index
    %get3A_50 = vector.load %arg8[%get3A_48, %get3A_49] : memref<1x3xf32, #tpu.memory_space<vmem>>, vector<1x3xf32>
    %get3A_51 = arith.constant 0 : index
    %get3A_52 = arith.constant 0 : index
    %get3A_53 = vector.load %arg9[%get3A_51, %get3A_52] : memref<64x3xf32, #tpu.memory_space<vmem>>, vector<64x3xf32>
    %dot_general3A = arith.constant dense<0.000000e+00> : vector<1x64xf32>
    %dot_general3A_54 = tpu.matmul %get3A_50, %get3A_53, %dot_general3A {dimension_numbers = #tpu.dot_dimension_numbers<[1], [1], [0], [0], [0, 0, 1, 0], [], []>, transpose_lhs_hint = false} : vector<1x3xf32>, vector<64x3xf32>, vector<1x64xf32> -> vector<1x64xf32>
    %add3A_55 = arith.addf %add3A_47, %dot_general3A_54 : vector<1x64xf32>
    %get3A_56 = arith.constant 0 : index
    %get3A_57 = arith.constant 0 : index
    %get3A_58 = vector.load %arg10[%get3A_56, %get3A_57] : memref<1x64xf32, #tpu.memory_space<vmem>>, vector<1x64xf32>
    %add3A_59 = arith.addf %add3A_55, %get3A_58 : vector<1x64xf32>
    %concatenate3A = tpu.concatenate %mul3A_30, %add3A_59 in 1 : vector<1x64xf32>, vector<1x64xf32> -> vector<1x128xf32>
    %get3A_60 = arith.constant 0 : index
    %get3A_61 = arith.constant 0 : index
    %get3A_62 = vector.load %arg11[%get3A_60, %get3A_61] : memref<64x128xf32, #tpu.memory_space<vmem>>, vector<64x128xf32>
    %dot_general3A_63 = arith.constant dense<0.000000e+00> : vector<1x64xf32>
    %dot_general3A_64 = tpu.matmul %concatenate3A, %get3A_62, %dot_general3A_63 {dimension_numbers = #tpu.dot_dimension_numbers<[1], [1], [0], [0], [0, 0, 1, 0], [], []>, transpose_lhs_hint = false} : vector<1x128xf32>, vector<64x128xf32>, vector<1x64xf32> -> vector<1x64xf32>
    %get3A_65 = arith.constant 0 : index
    %get3A_66 = arith.constant 0 : index
    %get3A_67 = vector.load %arg12[%get3A_65, %get3A_66] : memref<1x64xf32, #tpu.memory_space<vmem>>, vector<1x64xf32>
    %add3A_68 = arith.addf %dot_general3A_64, %get3A_67 : vector<1x64xf32>
    %tanh3A = math.tanh %add3A_68 : vector<1x64xf32>
    %get3A_69 = arith.constant 0 : index
    %get3A_70 = arith.constant 0 : index
    %get3A_71 = vector.load %arg13[%get3A_69, %get3A_70] : memref<1x64xf32, #tpu.memory_space<vmem>>, vector<1x64xf32>
    %mul3A_72 = arith.mulf %tanh3A, %get3A_71 : vector<1x64xf32>
    %reduce_sum3A_73 = arith.constant dense<0.000000e+00> : vector<1xf32>
    %reduce_sum3A_74 = vector.multi_reduction <add>, %mul3A_72, %reduce_sum3A_73 [1] : vector<1x64xf32> to vector<1xf32>
    %broadcast_in_dim3A_75 = vector.shape_cast %reduce_sum3A_74 : vector<1xf32> to vector<1x1xf32>
    %get3A_76 = arith.constant 0 : index
    %get3A_77 = memref.load %arg14[%get3A_76] : memref<1xf32, #tpu.memory_space<smem>>
    %add3A_78 = vector.broadcast %get3A_77 : f32 to vector<1x1xf32>
    %add3A_79 = arith.addf %broadcast_in_dim3A_75, %add3A_78 : vector<1x1xf32>
    %swap3A = arith.constant 0 : index
    %swap3A_80 = arith.constant 0 : index
    %swap3A_81 = vector.load %arg16[%swap3A, %swap3A_80] : memref<1x1xf32, #tpu.memory_space<vmem>>, vector<1x1xf32>
    tpu.vector_store %arg16[%swap3A, %swap3A_80], %add3A_79 {strides = array<i32>} : memref<1x1xf32, #tpu.memory_space<vmem>>, vector<1x1xf32>,
    %broadcast_in_dim3A_82 = arith.constant 0.000000e+00 : f32
    %broadcast_in_dim3A_83 = vector.broadcast %broadcast_in_dim3A_82 : f32 to vector<1x64xf32>
    %concatenate3A_84 = tpu.concatenate %tanh3A, %broadcast_in_dim3A_83 in 1 : vector<1x64xf32>, vector<1x64xf32> -> vector<1x128xf32>
    %concatenate3A_85 = tpu.concatenate %broadcast_in_dim3A_83, %tanh3A in 1 : vector<1x64xf32>, vector<1x64xf32> -> vector<1x128xf32>
    %concatenate3A_86 = tpu.concatenate %concatenate3A_84, %concatenate3A_85 in 0 : vector<1x128xf32>, vector<1x128xf32> -> vector<2x128xf32>
    %swap3A_87 = arith.constant 0 : index
    %swap3A_88 = arith.constant 0 : index
    %swap3A_89 = vector.load %arg15[%swap3A_87, %swap3A_88] : memref<2x128xf32, #tpu.memory_space<vmem>>, vector<2x128xf32>
    tpu.vector_store %arg15[%swap3A_87, %swap3A_88], %concatenate3A_86 {strides = array<i32>} : memref<2x128xf32, #tpu.memory_space<vmem>>, vector<2x128xf32>,
    return
  }
}

</mosaic_0001>

<sc_bundles>
// kernel: kernel.5.cloned.1.call-start
scs
__scs_entry_jumppad:
0x0: {  	(pc) =	sbr.rel $0x88, $3  }
0x1: {  	(tag) =	ssettag $0x0;
	lr =	simm.s32 $0x1  }
0x2: {  	[smem:$0x3F90] =	sst lr;
	_ =	strace $0xD0000000  }
0x3: {  	_ = 	snop  }
0x4: {  	_ = 	snop  }
0x5: {  	_ = 	snop  }
0x6: {  	_ = 	snop  }
0x7: {  	_ = 	snop  }
__scs_overlays_trampoline_lowered:
0x8: {  	[smem:$0x3F9F] =	sst s0  }
0x9: {  	[smem:$0x3FA0] =	sst s1  }
0xa: {  	[smem:$0x3FA1] =	sst s2  }
0xb: {  	[smem:$0x3FA2] =	sst s3  }
0xc: {  	[smem:$0x3FA3] =	sst s4  }
0xd: {  	[smem:$0x3FA4] =	sst s5  }
0xe: {  	[smem:$0x3FA5] =	sst s6  }
0xf: {  	[smem:$0x3FA6] =	sst s7  }
0x10: {  	[smem:$0x3FA7] =	sst s8  }
0x11: {  	[smem:$0x3FA8] =	sst s9;
	s0 =	simm.s32 @!p0 $0x0  }
0x12: {  	s1 =	sld [smem:$0x3F8E];
	s0 =	simm.s32 @p0 $0x1  }
0x13: {  	[smem:$0x3FA9] =	sst s0;
	s0 =	simm.s32 @!p1 $0x0  }
0x14: {  	s2 =	sld [smem:$0x3F8D];
	s0 =	simm.s32 @p1 $0x1  }
0x15: {  	[smem:$0x3FAA] =	sst s0;
	s0 =	simm.s32 @!p2 $0x0  }
0x16: {  	s3 =	sld [smem:$0x3FDB];
	s0 =	simm.s32 @p2 $0x1  }
0x17: {  	s4 =	simm.s32 $0x1BF5;
	[smem:$0x3FAC] =	sst s0  }
0x18: {  	s0 =	sld [smem:$0x3F8F];
	_ =	swait.ge [sflag:s4], $0x0  }
0x19: {  	s7 =	sld [smem:$0x3F90]  }
0x1a: {  	s8 =	sadd.s32 $0xFFFFE003, lr  }
0x1b: {  	s9 =	sadd.s32 $0xFFFFFEF7, lr;
	s5 =	simm.s32 $0xFFFFFFFF;
	p2 =	slt.u32 s8, $0xFFFFF086  }
0x1c: {  	p1 =	slt.u32 s9, $0xF7A;
	s5 =	simm.s32 @!p2 $0x0  }
0x1d: {  	s5 =	simm.s32 @p1 $0x1;
	p0 =	seq.s32 s7, s2  }
0x1e: {  	s7 =	smul.u32 @!p0 $0xF7A, s2;
	p2 =	seq.s32 @!p0 s5, $0x0  }
0x1f: {  	s9 =	smul.u32 $0xF7A, s1;
	s8 =	simm.s32 @!p0 $0x1BF5;
	p2 =	por !p2, p0  }
0x20: {  	[sflag:s8] =	ssyncset.s32 @!p0 $0xFFFFF086;
	s6 =	sadd.s32 @!p0 s3, s7;
	s7 =	simm.s32 @!p0 $0x108  }
0x21: {  	s3 =	sadd.s32 s3, s9;
	s6 =	sadd.s32 @!p0 $0x88, s6;
	s7 =	simm.s32 @p2 $0x1082  }
0x22: {  	[simem:s7], [sflag:s8] =	dma.local @!p0 [hbm:s6], $0xF7A  }
0x23: {  	s9 =	sor.u32 $0xD0000000, s2;
	s6 =	simm.s32 $0x108;
	_ =	swait.ge @!p0 [sflag:s8], $0x0  }
0x24: {  	s3 =	sadd.s32 $0x88, s3;
	s6 =	simm.s32 @!p1 $0x1082;
	[sflag:s4] =	ssyncset.s32 $0xFFFFF086  }
0x25: {  	[simem:s6], [sflag:s4] =	dma.local [hbm:s3], $0xF7A  }
0x26: {  	[smem:$0x3F90] =	sst s1;
	(tag) =	ssettag s2;
	_ =	strace s9  }
0x27: {  	s1 =	sld [smem:$0x3FA0]  }
0x28: {  	s2 =	sld [smem:$0x3FA1]  }
0x29: {  	s4 =	sld [smem:$0x3FA3]  }
0x2a: {  	p0 =	seq.s32 s5, $0x0;
	s5 =	sld [smem:$0x3FA4]  }
0x2b: {  	s6 =	sld [smem:$0x3FA5]  }
0x2c: {  	s7 =	sld [smem:$0x3FA6]  }
0x2d: {  	s3 =	simm.s32 $0x108;
	s8 =	sld [smem:$0x3FA7]  }
0x2e: {  	s3 =	simm.s32 @!p0 $0x1082;
	s9 =	sld [smem:$0x3FA8]  }
0x2f: {  	lr =	sadd.s32 s0, s3;
	s0 =	sld [smem:$0x3F9F]  }
0x30: {  	s3 =	sld [smem:$0x3FA2]  }
0x31: {  	[smem:$0x3FAB] =	sst s10  }
0x32: {  	s10 =	sld [smem:$0x3FA9];
	_ =	sdelay $0x3  }
0x33: {  	p0 =	seq.s32 s10, $0x1;
	s10 =	sld [smem:$0x3FAB];
	_ =	sdelay $0x3  }
0x34: {  	[smem:$0x3FAB] =	sst s10  }
0x35: {  	s10 =	sld [smem:$0x3FAA];
	_ =	sdelay $0x3  }
0x36: {  	p1 =	seq.s32 s10, $0x1;
	s10 =	sld [smem:$0x3FAB];
	_ =	sdelay $0x3  }
0x37: {  	[smem:$0x3FAB] =	sst s10  }
0x38: {  	s10 =	sld [smem:$0x3FAC]  }
0x39: {  	_ = 	snop;
	(pc) =	sbr.ind lr, $3  }
0x3a: {  	_ = 	snop  }
0x3b: {  	_ = 	snop  }
0x3c: {  	p2 =	seq.s32 s10, $0x1;
	s10 =	sld [smem:$0x3FAB]  }
0x3d: {  	_ =	shalt  }
0x3e: {  	_ =	shalt  }
0x3f: {  	_ =	shalt  }
0x40: {  	_ =	shalt  }
0x41: {  	_ =	shalt  }
0x42: {  	_ =	shalt  }
0x43: {  	_ =	shalt  }
0x44: {  	_ =	shalt  }
0x45: {  	_ =	shalt  }
0x46: {  	_ =	shalt  }
0x47: {  	_ =	shalt  }
0x48: {  	_ =	shalt  }
0x49: {  	_ =	shalt  }
0x4a: {  	_ =	shalt  }
0x4b: {  	_ =	shalt  }
0x4c: {  	_ =	shalt  }
0x4d: {  	_ =	shalt  }
0x4e: {  	_ =	shalt  }
0x4f: {  	_ =	shalt  }
0x50: {  	_ =	shalt  }
0x51: {  	_ =	shalt  }
0x52: {  	_ =	shalt  }
0x53: {  	_ =	shalt  }
0x54: {  	_ =	shalt  }
0x55: {  	_ =	shalt  }
0x56: {  	_ =	shalt  }
0x57: {  	_ =	shalt  }
0x58: {  	_ =	shalt  }
0x59: {  	_ =	shalt  }
0x5a: {  	_ =	shalt  }
0x5b: {  	_ =	shalt  }
0x5c: {  	_ =	shalt  }
0x5d: {  	_ =	shalt  }
0x5e: {  	_ =	shalt  }
0x5f: {  	_ =	shalt  }
0x60: {  	_ =	shalt  }
0x61: {  	_ =	shalt  }
0x62: {  	_ =	shalt  }
0x63: {  	_ =	shalt  }
0x64: {  	_ =	shalt  }
0x65: {  	_ =	shalt  }
0x66: {  	_ =	shalt  }
0x67: {  	_ =	shalt  }
0x68: {  	_ =	shalt  }
0x69: {  	_ =	shalt  }
0x6a: {  	_ =	shalt  }
0x6b: {  	_ =	shalt  }
0x6c: {  	_ =	shalt  }
0x6d: {  	_ =	shalt  }
0x6e: {  	_ =	shalt  }
0x6f: {  	_ =	shalt  }
0x70: {  	_ =	shalt  }
0x71: {  	_ =	shalt  }
0x72: {  	_ =	shalt  }
0x73: {  	_ =	shalt  }
0x74: {  	_ =	shalt  }
0x75: {  	_ =	shalt  }
0x76: {  	_ =	shalt  }
0x77: {  	_ =	shalt  }
0x78: {  	_ =	shalt  }
0x79: {  	_ =	shalt  }
0x7a: {  	_ =	shalt  }
0x7b: {  	_ =	shalt  }
0x7c: {  	_ =	shalt  }
0x7d: {  	_ =	shalt  }
0x7e: {  	_ =	shalt  }
0x7f: {  	_ =	shalt  }
0x80: {  	_ =	shalt  }
0x81: {  	_ =	shalt  }
0x82: {  	_ =	shalt  }
0x83: {  	_ =	shalt  }
0x84: {  	_ =	shalt  }
0x85: {  	_ =	shalt  }
0x86: {  	_ =	shalt  }
0x87: {  	_ =	shalt  }
.Lfunc_end0:
.L_simem_size_0:
called_computation_lowered:
.L_overlay_start_0:
0x88: {  	s2 =	sld [smem:$0x3FD9]  }
0x89: {  	s3 =	sld [smem:$0x3FFE];
	_ =	sdelay $0x1  }
0x8a: {  	s1 =	srdreg.scid  }
0x8b: {  	s0 =	sand.u32 $0x1, s1  }
0x8c: {  	s16 =	sshll.u32 s0, $0xA;
	s2 =	sadd.s32 s3, s2  }
0x8d: {  	s2 =	sadd.s32 s2, s16  }
0x8e: {  	[smem:$0x3FB7] =	sst s2  }
0x8f: {  	_ = 	snop  }
0x90: {  	(tm) =	ssettm $0x1  }
0x91: {  	s17 =	sld [smem:$0x3FFB];
	_ =	sdelay $0x3  }
0x92: {  	_ =	strace s17  }
0x93: {  	s2 =	sld [smem:$0x3FFC];
	_ =	sdelay $0x3  }
0x94: {  	_ =	strace s2  }
0x95: {  	s2 =	sld [smem:$0x3FFD];
	_ =	sdelay $0x3  }
0x96: {  	_ =	strace s2  }
0x97: {  	_ =	strace $0x8FFFFFFF  }
0x98: {  	s18 =	sld [smem:$0x3FDB];
	_ =	sdelay $0x1  }
0x99: {  	s19 =	simm.s32 $_scs_section_size  }
0x9a: {  	s4 =	simm.s32 $_size__tile_overlayer_lowered;
	s5 =	simm.s32 $_tile_overlayer_lowered  }
0x9b: {  	s22 =	simm.s32 $0x1BFF;
	s21 =	sshll.u32 s5, $0x1;
	s2 =	sadd.s32 s19, s18  }
0x9c: {  	s6 =	simm.s32 $0x0;
	s20 =	sshll.u32 s4, $0x1;
	s4 =	sadd.s32 s21, s2  }
0x9d: {  	[timem:s6], [sflag:s22] =	dma.local [hbm:s4], s20  }
0x9e: {  	_ =	swait.ge [sflag:s22], s20  }
0x9f: {  	s3 =	ssub.s32 $0x0, s20;
	[sflag:s22] =	ssyncset.done $0x0  }
0xa0: {  	[sflag:s22] =	ssyncadd.s32 s3;
	_ =	sdelay $0x1  }
0xa1: {  	s23 =	simm.s32 $0x1B8B  }
0xa2: {  	_ =	swait.ge [sflag:s23], $0x1  }
0xa3: {  	[sflag:s23] =	ssyncset.done $0x0  }
0xa4: {  	s25 =	simm.s32 $0x1B8E;
	s24 =	sld [smem:$0x3FFE];
	[sflag:s23] =	ssyncadd.s32 $0xFFFFFFFF  }
0xa5: {  	s26 =	simm.s32 $execute0_lowered;
	[smem:$0x3FD2] =	sst s25  }
0xa6: {  	s4 =	sshll.u32 s26, $0x1;
	_ =	strace $0x80000046;
	[dreg:$0x1] =	wrdreg $0xFFFFFFFF  }
0xa7: {  	s28 =	simm.s32 $_size_execute0_lowered;
	s2 =	sadd.s32 s2, s4;
	[dreg:$0x0] =	wrdreg $0x0  }
0xa8: {  	s4 =	sshll.u32 s28, $0x1;
	[dreg:$0x2] =	wrdreg s2  }
0xa9: {  	[dreg:$0x3] =	wrdreg s4  }
0xaa: {  	[dreg:$0x4] =	wrdreg $0xC0  }
0xab: {  	_ =	task [dreg:s6], $0x5FFFF  }
0xac: {  	[dreg:$0x1] =	wrdreg $0xFFFFFFFF  }
0xad: {  	[dreg:$0x0] =	wrdreg $0x60  }
0xae: {  	[dreg:$0x2] =	wrdreg s24  }
0xaf: {  	[dreg:$0x3] =	wrdreg $0x9  }
0xb0: {  	_ =	task.clear_ibuf [dreg:s6], $0x4FFFF;
	_ =	strace $0x90000046  }
0xb1: {  	s29 =	simm.s32 $0x9;
	_ =	strace $0x80000048  }
0xb2: {  	_ =	swait.ge [sflag:s29], $0x1  }
0xb3: {  	[sflag:s29] =	ssyncadd.s32 $0xFFFFFFFF  }
0xb4: {  	_ =	strace $0x90000048  }
0xb5: {  	_ =	sfence  }
0xb6: {  	s30 =	sld [smem:$0x0];
	_ =	sdelay $0x2  }
0xb7: {  	s31 =	sshll.u32 s1, $0xD;
	s1 =	sshrl.u32 s1, $0x2  }
0xb8: {  	s3 =	sand.u32 $0x4000, s31;
	s1 =	sadd.s32 s1, s30  }
0xb9: {  	s0 =	sor.u32 s3, s0;
	s1 =	sshll.u32 s1, $0x11  }
0xba: {  	s0 =	sor.u32 s1, s0  }
0xbb: {  	s0 =	sadd.s32 $0x8F2B, s0  }
0xbc: {  	[sflag:s0] =	ssyncadd.remote.s32 $0x1  }
0xbd: {  	_ =	sfence.sel $0xFFFF  }
0xbe: {  	[dreg:$0x0] =	wrdreg $0xFFFFFFFF;
	(pc) =	sbr.abs _section_cstart, $3  }
0xbf: {  	[dreg:$0x1] =	wrdreg $0xFFFFFFFF  }
0xc0: {  	_ =	task.clear_ibuf [dreg:s6], $0x2FFFF;
	_ =	strace $0x9FFFFFFF  }
0xc1: {  	(tm) =	ssettm $0x7FFFFFFF  }
tec
execute0_lowered:
.L_overlay_start_1:
0x0: {  	(tag) =	ssettag $0x1  }
0x1: {  	s1 =	srdreg.scid;
	s0 =	stileid.u32  }
0x2: {  	s6 =	sand.u32 $0x1, s1;
	s3 =	sshll.u32 s0, $0x1  }
0x3: {  	s10 =	sor.u32 s6, s3  }
0x4: {  	p0 =	sgt.u32 s10, $0x18  }
.Ltmp0:
0x5: {  	_ = 	snop;
	(pc) =	sbr.rel @p0 .LBB2_4-.Ltmp0, $4  }
0x6: {  	_ = 	snop  }
0x7: {  	s9 =	rddreg [dreg:$0x0];
	s2 =	simm.s32 $0x0  }
0x8: {  	[smem:$0x7FF] =	sst s2  }
0x9: {  	s1 =	rddreg [dreg:$0x1];
	_ =	strace $0x80000047  }
0xa: {  	s3 =	sadd.s32 $0x2E00, s9;
	s5 =	sadd.s32 $0xF45200, s9;
	s11 =	ssub.s32 $0x2, s6  }
0xb: {  	s6 =	simm.s32 $0x8;
	s4 =	sadd.s32 s3, s10;
	s3 =	simm.s32 $0x2  }
0xc: {  	[tilespmem:s2], [sflag:$0x2] =	stream.linear.gather [hbm4b:s4+s2], $0x8, $0x38;
	[tilespmem:$0x480] =	vst v63  }
0xd: {  	s7 =	simm.s32 $0x80;
	s12 =	sshrl.u32 s11, $0x1;
	_ =	swait.ge [sflag:s3], $0x8  }
0xe: {  	s8 =	simm.s32 $0x1;
	s31 =	ssub.s32 s11, s12;
	[sflag:s3] =	ssyncset.done $0x0  }
0xf: {  	s29 =	sshll.u32 s10, $0x7;
	s10 =	smax.u32 s31, $0x1;
	[sflag:s3] =	ssyncadd.s32 $0xFFFFFFF8  }
0x10: {  	[tilespmem:s7], [sflag:$0x1] =	stream.indirect.gather [hbm4b:s5+s6], $0x80, s2, s6, $0xb8;
	[tilespmem:$0x480] =	vst v63  }
0x11: {  	p0 =	sne.s32 s10, $0x1;
	_ =	swait.ge [sflag:s8], $0x400  }
.Ltmp1:
0x12: {  	s30 =	sadd.s32 s29, s9;
	[sflag:s8] =	ssyncset.done $0x0;
	(pc) =	sbr.rel @!p0 .LBB2_3-.Ltmp1, $4  }
0x13: {  	s9 =	sadd.s32 $0x3000, s30;
	[sflag:s8] =	ssyncadd.s32 $0xFFFFFC00  }
0x14: {  	[hbm4b:s9+s2] =	stream.linear.scatter [tilespmem:s7], [sflag:$0x2], $0x400, $0x38;
	[tilespmem:$0x480] =	vst v63  }
0x15: {  	_ =	swait.ge [sflag:s3], $0x400  }
0x16: {  	s10 =	sadd.s32 $0xFFFFFFFF, s10;
	[sflag:s3] =	ssyncset.done $0x0  }
.LBB2_2:
0x17: {  	p0 =	sne.s32 s10, $0x1;
	s10 =	sadd.s32 $0xFFFFFFFF, s10;
	[sflag:s3] =	ssyncadd.s32 $0xFFFFFC00  }
0x18: {  	[tilespmem:s2], [sflag:$0x2] =	stream.linear.gather [hbm4b:s4+s2], $0x8, $0x38;
	[tilespmem:$0x480] =	vst v63  }
0x19: {  	_ =	swait.ge [sflag:s3], $0x8  }
0x1a: {  	[sflag:s3] =	ssyncset.done $0x0  }
0x1b: {  	[sflag:s3] =	ssyncadd.s32 $0xFFFFFFF8  }
0x1c: {  	[tilespmem:s7], [sflag:$0x1] =	stream.indirect.gather [hbm4b:s5+s6], $0x80, s2, s6, $0xb8;
	[tilespmem:$0x480] =	vst v63  }
0x1d: {  	_ =	swait.ge [sflag:s8], $0x400  }
.Ltmp2:
0x1e: {  	[sflag:s8] =	ssyncset.done $0x0;
	(pc) =	sbr.rel @p0 .LBB2_2-.Ltmp2, $4  }
0x1f: {  	[sflag:s8] =	ssyncadd.s32 $0xFFFFFC00  }
0x20: {  	[hbm4b:s9+s2] =	stream.linear.scatter [tilespmem:s7], [sflag:$0x2], $0x400, $0x38;
	[tilespmem:$0x480] =	vst v63  }
0x21: {  	_ =	swait.ge [sflag:s3], $0x400  }
0x22: {  	[sflag:s3] =	ssyncset.done $0x0  }
.LBB2_3:
0x23: {  	[sflag:s3] =	ssyncadd.s32 $0xFFFFFC00  }
.LBB2_4:
0x24: {  	_ =	sfence.sel $0x180000  }
0x25: {  	[bflag:$0x0] =	sbarrier.arrive $0xFFFF  }
0x26: {  	p0 =	sne.s32 s0, $0x0;
	_ =	strace $0x90000047  }
0x27: {  	s0 =	sadd.s32 @!p0 $0x100000, s1;
	[bflag:$0x2] =	sbarrier.arrive $0xFFFF  }
0x28: {  	[sflag:s0] =	ssyncadd.tile.s32 @!p0 $0x1;
	_ =	shalt  }
.Lfunc_end2:
_tile_overlayer_lowered:
.L_overlay_start_2:
0x29: {  	(tag) =	ssettag $0x2  }
0x2a: {  	s0 =	rddreg [dreg:$0x0];
	s2 =	stileid.u32  }
0x2b: {  	s1 =	rddreg [dreg:$0x1];
	p0 =	sne.s32 s2, $0x0  }
0x2c: {  	s3 =	rddreg [dreg:$0x2];
	[bflag:$0x3] =	sbarrier.arrive $0xFFFF;
	s2 =	simm.s32 @!p0 $0x1C02  }
0x2d: {  	[timem:s3], [sflag:s2] =	dma.local @!p0 [hbm:s0], s1  }
0x2e: {  	s0 =	simm.s32 @!p0 $0x2  }
0x2f: {  	_ =	swait.ge @!p0 [sflag:s0], s1  }
0x30: {  	s1 =	ssub.s32 @!p0 $0x0, s1;
	[sflag:s0] =	ssyncset.done @!p0 $0x0  }
0x31: {  	[sflag:s0] =	ssyncadd.s32 @!p0 s1  }
0x32: {  	[bflag:$0x3] =	sbarrier.arrive $0xFFFF  }
0x33: {  	_ =	shalt  }

</sc_bundles>
